<compile_context>
chip_gen: v7x
topology: tpu7x:2x2x1
jax: 0.10.2.dev20260603
libtpu: 0.0.44.dev20260713+nightly
codegen_flags: <defaults>
</compile_context>

<pallas_src>
import jax
import jax.numpy as jnp
from jax import lax
from jax.experimental import pallas as pl
from jax.experimental.pallas import tpu as pltpu
from jax.experimental.pallas import tpu_sc as plsc

NUM_CORES = 2
NUM_SUBCORES = 16
NUM_WORKERS = NUM_CORES * NUM_SUBCORES

BATCH = 16384
DIM = 64
PADDIM = 128

B_PER_W = BATCH // NUM_WORKERS


def _pair_body(i0, i1, t0, t1, o0, o1, idx_v, rows_v, isem, gsem, ssem):
    wid = lax.axis_index("s") * NUM_CORES + lax.axis_index("c")
    base = wid * B_PER_W

    ia = pltpu.async_copy(i0.at[pl.ds(base, B_PER_W)], idx_v.at[0],
                          isem.at[0])
    ib = pltpu.async_copy(i1.at[pl.ds(base, B_PER_W)], idx_v.at[1],
                          isem.at[1])

    ia.wait()
    g0 = pltpu.async_copy(t0.at[idx_v.at[0]], rows_v.at[0], gsem.at[0])
    ib.wait()
    g1 = pltpu.async_copy(t1.at[idx_v.at[1]], rows_v.at[1], gsem.at[1])

    dst = pl.ds(base, B_PER_W), pl.ds(0, DIM)
    g0.wait()
    s0 = pltpu.async_copy(rows_v.at[0], o0.at[dst], ssem.at[0])
    g1.wait()
    s1 = pltpu.async_copy(rows_v.at[1], o1.at[dst], ssem.at[1])
    s0.wait()
    s1.wait()


@jax.jit
def _pair(i0, i1, t0, t1):
    mesh = plsc.VectorSubcoreMesh(core_axis_name="c", subcore_axis_name="s")
    out = jax.ShapeDtypeStruct((BATCH, PADDIM), jnp.float32)
    return pl.kernel(
        _pair_body,
        out_type=(out, out),
        mesh=mesh,
        compiler_params=pltpu.CompilerParams(use_tc_tiling_on_sc=False),
        scratch_types=[
            pltpu.VMEM((2, B_PER_W), jnp.int32),
            pltpu.VMEM((2, B_PER_W, DIM), jnp.float32),
            pltpu.SemaphoreType.DMA((2,)),
            pltpu.SemaphoreType.DMA((2,)),
            pltpu.SemaphoreType.DMA((2,)),
        ],
    )(i0, i1, t0, t1)


def kernel(head, relation, tail, timestamp,
           entity_table, relation_table, timestamp_table):
    rel_o, ts_o = _pair(relation.astype(jnp.int32),
                        timestamp.astype(jnp.int32),
                        relation_table, timestamp_table)
    head_o, tail_o = _pair(head.astype(jnp.int32),
                           tail.astype(jnp.int32),
                           entity_table, entity_table)
    return (head_o[:, :DIM], rel_o[:, :DIM],
            tail_o[:, :DIM], ts_o[:, :DIM])

# --- scband reference (transcript-rebuilt; emitter-appended) ---
"""Pipeline reference for scband-pretrained-tkgembedding-with-timestamps-44092134260965 (READ-ONLY COPY).

The authoritative reference and input builder live on the scoring server;
editing this copy changes nothing except your own understanding.
"""

import jax, jax.numpy as jnp
import numpy as np

NUM_ENTITIES = 100000
NUM_RELATIONS = 1000
NUM_TIMESTAMPS = 10000
EMBED_DIM = 64
BATCH = 16384

def setup_inputs(seed: int = 0) -> dict:
    key = jax.random.key(seed)
    k1, k2, k3, k4, k5, k6, k7 = jax.random.split(key, 7)
    head = jax.random.randint(k1, (BATCH,), 0, NUM_ENTITIES, dtype=jnp.int32).astype(jnp.int64)
    relation = jax.random.randint(k2, (BATCH,), 0, NUM_RELATIONS, dtype=jnp.int32).astype(jnp.int64)
    tail = jax.random.randint(k3, (BATCH,), 0, NUM_ENTITIES, dtype=jnp.int32).astype(jnp.int64)
    timestamp = jax.random.randint(k4, (BATCH,), 0, NUM_TIMESTAMPS, dtype=jnp.int32).astype(jnp.int64)
    entity_table = jax.random.normal(k5, (NUM_ENTITIES, EMBED_DIM), dtype=jnp.float32)
    relation_table = jax.random.normal(k6, (NUM_RELATIONS, EMBED_DIM), dtype=jnp.float32)
    timestamp_table = jax.random.normal(k7, (NUM_TIMESTAMPS, EMBED_DIM), dtype=jnp.float32)
    return {
        "head": head,
        "relation": relation,
        "tail": tail,
        "timestamp": timestamp,
        "entity_table": entity_table,
        "relation_table": relation_table,
        "timestamp_table": timestamp_table,
    }

def reference(head, relation, tail, timestamp, entity_table, relation_table, timestamp_table):
    head_emb = jnp.take(entity_table, head, axis=0)
    relation_emb = jnp.take(relation_table, relation, axis=0)
    tail_emb = jnp.take(entity_table, tail, axis=0)
    timestamp_emb = jnp.take(timestamp_table, timestamp, axis=0)
    return (head_emb, relation_emb, tail_emb, timestamp_emb)

if __name__ == "__main__":
    import jax
    _d = setup_inputs()
    print(jax.jit(kernel)(*tuple(_d.values())))

</pallas_src>

<mosaic_0001>
#map = affine_map<(d0, d1) -> (0)>
#map1 = affine_map<(d0, d1) -> (0, 0)>
module attributes {stable_mosaic.version = 14 : i64} {
  func.func @_pair_body(%arg0: i32, %arg1: i32, %arg2: memref<16384xi32, #tpu.memory_space<hbm>>, %arg3: memref<16384xi32, #tpu.memory_space<hbm>>, %arg4: memref<1000x64xf32, #tpu.memory_space<hbm>>, %arg5: memref<10000x64xf32, #tpu.memory_space<hbm>>, %arg6: memref<16384x128xf32, #tpu.memory_space<hbm>>, %arg7: memref<16384x128xf32, #tpu.memory_space<hbm>>, %arg8: memref<2x512xi32, #tpu.memory_space<vmem>>, %arg9: memref<2x512x64xf32, #tpu.memory_space<vmem>>, %arg10: memref<2x!tpu.dma_semaphore, #tpu.memory_space<semaphore_mem>>, %arg11: memref<2x!tpu.dma_semaphore, #tpu.memory_space<semaphore_mem>>, %arg12: memref<2x!tpu.dma_semaphore, #tpu.memory_space<semaphore_mem>>) attributes {dimension_semantics = [#tpu.dimension_semantics<core_parallel>, #tpu.dimension_semantics<subcore_parallel>], iteration_bounds = array<i64: 2, 16>, scalar_prefetch = 0 : i64, scratch_operands = 5 : i64, tpu.core_type = #tpu.core_type<sc_vector_subcore>, window_params = [{transform_indices = #map}, {transform_indices = #map}, {transform_indices = #map1}, {transform_indices = #map1}, {transform_indices = #map1}, {transform_indices = #map1}]} {
    %mul3A = arith.constant 2 : i32
    %mul3A_0 = arith.muli %arg1, %mul3A : i32
    %add3A = arith.addi %mul3A_0, %arg0 : i32
    %mul3A_1 = arith.constant 512 : i32
    %mul3A_2 = arith.muli %add3A, %mul3A_1 : i32
    %dma_start3A = arith.constant 0 : i32
    %dma_start3A_3 = arith.constant 0 : i32
    %dma_start3A_4 = arith.constant 0 : i32
    %dma_start3A_5 = tpu.memref_slice %arg8[%dma_start3A, %dma_start3A_4] : memref<2x512xi32, #tpu.memory_space<vmem>> -> memref<1x512xi32, #tpu.memory_space<vmem>>
    %dma_start3A_6 = tpu.memref_squeeze %dma_start3A_5 : memref<1x512xi32, #tpu.memory_space<vmem>> -> memref<512xi32, #tpu.memory_space<vmem>>
    %dma_start3A_7 = tpu.memref_slice %arg2[%mul3A_2] : memref<16384xi32, #tpu.memory_space<hbm>> -> memref<512xi32, #tpu.memory_space<hbm>>
    %dma_start3A_8 = tpu.memref_slice %arg10[%dma_start3A_3] : memref<2x!tpu.dma_semaphore, #tpu.memory_space<semaphore_mem>> -> memref<1x!tpu.dma_semaphore, #tpu.memory_space<semaphore_mem>>
    %dma_start3A_9 = tpu.memref_squeeze %dma_start3A_8 : memref<1x!tpu.dma_semaphore, #tpu.memory_space<semaphore_mem>> -> memref<!tpu.dma_semaphore, #tpu.memory_space<semaphore_mem>>
    %dma_start3A_10 = arith.constant 0 : i32
    %dma_start3A_11 = tpu.memref_slice %arg8[%dma_start3A, %dma_start3A_10] : memref<2x512xi32, #tpu.memory_space<vmem>> -> memref<1x512xi32, #tpu.memory_space<vmem>>
    %dma_start3A_12 = tpu.memref_squeeze %dma_start3A_11 : memref<1x512xi32, #tpu.memory_space<vmem>> -> memref<512xi32, #tpu.memory_space<vmem>>
    %dma_start3A_13 = tpu.memref_slice %arg2[%mul3A_2] : memref<16384xi32, #tpu.memory_space<hbm>> -> memref<512xi32, #tpu.memory_space<hbm>>
    tpu.enqueue_dma source(%dma_start3A_13 : memref<512xi32, #tpu.memory_space<hbm>>) target(%dma_start3A_12 : memref<512xi32, #tpu.memory_space<vmem>>) target_semaphore(%dma_start3A_9 : memref<!tpu.dma_semaphore, #tpu.memory_space<semaphore_mem>>)
    %dma_start3A_14 = arith.constant 1 : i32
    %dma_start3A_15 = arith.constant 1 : i32
    %dma_start3A_16 = arith.constant 0 : i32
    %dma_start3A_17 = tpu.memref_slice %arg8[%dma_start3A_14, %dma_start3A_16] : memref<2x512xi32, #tpu.memory_space<vmem>> -> memref<1x512xi32, #tpu.memory_space<vmem>>
    %dma_start3A_18 = tpu.memref_squeeze %dma_start3A_17 : memref<1x512xi32, #tpu.memory_space<vmem>> -> memref<512xi32, #tpu.memory_space<vmem>>
    %dma_start3A_19 = tpu.memref_slice %arg3[%mul3A_2] : memref<16384xi32, #tpu.memory_space<hbm>> -> memref<512xi32, #tpu.memory_space<hbm>>
    %dma_start3A_20 = tpu.memref_slice %arg10[%dma_start3A_15] : memref<2x!tpu.dma_semaphore, #tpu.memory_space<semaphore_mem>> -> memref<1x!tpu.dma_semaphore, #tpu.memory_space<semaphore_mem>>
    %dma_start3A_21 = tpu.memref_squeeze %dma_start3A_20 : memref<1x!tpu.dma_semaphore, #tpu.memory_space<semaphore_mem>> -> memref<!tpu.dma_semaphore, #tpu.memory_space<semaphore_mem>>
    %dma_start3A_22 = arith.constant 0 : i32
    %dma_start3A_23 = tpu.memref_slice %arg8[%dma_start3A_14, %dma_start3A_22] : memref<2x512xi32, #tpu.memory_space<vmem>> -> memref<1x512xi32, #tpu.memory_space<vmem>>
    %dma_start3A_24 = tpu.memref_squeeze %dma_start3A_23 : memref<1x512xi32, #tpu.memory_space<vmem>> -> memref<512xi32, #tpu.memory_space<vmem>>
    %dma_start3A_25 = tpu.memref_slice %arg3[%mul3A_2] : memref<16384xi32, #tpu.memory_space<hbm>> -> memref<512xi32, #tpu.memory_space<hbm>>
    tpu.enqueue_dma source(%dma_start3A_25 : memref<512xi32, #tpu.memory_space<hbm>>) target(%dma_start3A_24 : memref<512xi32, #tpu.memory_space<vmem>>) target_semaphore(%dma_start3A_21 : memref<!tpu.dma_semaphore, #tpu.memory_space<semaphore_mem>>)
    %dma_wait3A = arith.constant 0 : i32
    %dma_wait3A_26 = arith.constant 0 : i32
    %dma_wait3A_27 = arith.constant 0 : i32
    %dma_wait3A_28 = tpu.memref_slice %arg8[%dma_wait3A, %dma_wait3A_27] : memref<2x512xi32, #tpu.memory_space<vmem>> -> memref<1x512xi32, #tpu.memory_space<vmem>>
    %dma_wait3A_29 = tpu.memref_squeeze %dma_wait3A_28 : memref<1x512xi32, #tpu.memory_space<vmem>> -> memref<512xi32, #tpu.memory_space<vmem>>
    %dma_wait3A_30 = tpu.memref_slice %arg2[%mul3A_2] : memref<16384xi32, #tpu.memory_space<hbm>> -> memref<512xi32, #tpu.memory_space<hbm>>
    %dma_wait3A_31 = tpu.memref_slice %arg10[%dma_wait3A_26] : memref<2x!tpu.dma_semaphore, #tpu.memory_space<semaphore_mem>> -> memref<1x!tpu.dma_semaphore, #tpu.memory_space<semaphore_mem>>
    %dma_wait3A_32 = tpu.memref_squeeze %dma_wait3A_31 : memref<1x!tpu.dma_semaphore, #tpu.memory_space<semaphore_mem>> -> memref<!tpu.dma_semaphore, #tpu.memory_space<semaphore_mem>>
    %dma_wait3A_33 = arith.constant 0 : i32
    %dma_wait3A_34 = tpu.memref_slice %arg8[%dma_wait3A, %dma_wait3A_33] : memref<2x512xi32, #tpu.memory_space<vmem>> -> memref<1x512xi32, #tpu.memory_space<vmem>>
    %dma_wait3A_35 = tpu.memref_squeeze %dma_wait3A_34 : memref<1x512xi32, #tpu.memory_space<vmem>> -> memref<512xi32, #tpu.memory_space<vmem>>
    %dma_wait3A_36 = tpu.memref_slice %arg2[%mul3A_2] : memref<16384xi32, #tpu.memory_space<hbm>> -> memref<512xi32, #tpu.memory_space<hbm>>
    tpu.wait_dma2 semaphore(%dma_wait3A_32 : memref<!tpu.dma_semaphore, #tpu.memory_space<semaphore_mem>>) src(%dma_wait3A_36 : memref<512xi32, #tpu.memory_space<hbm>>) dst(%dma_wait3A_35 : memref<512xi32, #tpu.memory_space<vmem>>)
    %dma_start3A_37 = arith.constant 0 : i32
    %dma_start3A_38 = arith.constant 0 : i32
    %dma_start3A_39 = arith.constant 0 : i32
    %dma_start3A_40 = arith.constant 0 : i32
    %dma_start3A_41 = arith.constant 0 : i32
    %dma_start3A_42 = tpu.memref_slice %arg9[%dma_start3A_38, %dma_start3A_40, %dma_start3A_41] : memref<2x512x64xf32, #tpu.memory_space<vmem>> -> memref<1x512x64xf32, #tpu.memory_space<vmem>>
    %dma_start3A_43 = tpu.memref_squeeze %dma_start3A_42 : memref<1x512x64xf32, #tpu.memory_space<vmem>> -> memref<512x64xf32, #tpu.memory_space<vmem>>
    %dma_start3A_44 = arith.constant 0 : i32
    %dma_start3A_45 = tpu.memref_slice %arg8[%dma_start3A_37, %dma_start3A_44] : memref<2x512xi32, #tpu.memory_space<vmem>> -> memref<1x512xi32, #tpu.memory_space<vmem>>
    %dma_start3A_46 = tpu.memref_squeeze %dma_start3A_45 : memref<1x512xi32, #tpu.memory_space<vmem>> -> memref<512xi32, #tpu.memory_space<vmem>>
    %dma_start3A_47 = arith.constant 0 : i32
    %dma_start3A_48 = arith.constant 0 : i32
    %dma_start3A_49 = tpu.memref_slice %arg4[%dma_start3A_47, %dma_start3A_48] : memref<1000x64xf32, #tpu.memory_space<hbm>> -> memref<1000x64xf32, #tpu.memory_space<hbm>>
    %dma_start3A_50 = tpu.memref_slice %arg11[%dma_start3A_39] : memref<2x!tpu.dma_semaphore, #tpu.memory_space<semaphore_mem>> -> memref<1x!tpu.dma_semaphore, #tpu.memory_space<semaphore_mem>>
    %dma_start3A_51 = tpu.memref_squeeze %dma_start3A_50 : memref<1x!tpu.dma_semaphore, #tpu.memory_space<semaphore_mem>> -> memref<!tpu.dma_semaphore, #tpu.memory_space<semaphore_mem>>
    tpu.enqueue_indirect_dma source(%dma_start3A_49 : memref<1000x64xf32, #tpu.memory_space<hbm>>) target(%dma_start3A_43 : memref<512x64xf32, #tpu.memory_space<vmem>>) offsets(%dma_start3A_46 : memref<512xi32, #tpu.memory_space<vmem>>) semaphore(%dma_start3A_51 : memref<!tpu.dma_semaphore, #tpu.memory_space<semaphore_mem>>)
    %dma_wait3A_52 = arith.constant 1 : i32
    %dma_wait3A_53 = arith.constant 1 : i32
    %dma_wait3A_54 = arith.constant 0 : i32
    %dma_wait3A_55 = tpu.memref_slice %arg8[%dma_wait3A_52, %dma_wait3A_54] : memref<2x512xi32, #tpu.memory_space<vmem>> -> memref<1x512xi32, #tpu.memory_space<vmem>>
    %dma_wait3A_56 = tpu.memref_squeeze %dma_wait3A_55 : memref<1x512xi32, #tpu.memory_space<vmem>> -> memref<512xi32, #tpu.memory_space<vmem>>
    %dma_wait3A_57 = tpu.memref_slice %arg3[%mul3A_2] : memref<16384xi32, #tpu.memory_space<hbm>> -> memref<512xi32, #tpu.memory_space<hbm>>
    %dma_wait3A_58 = tpu.memref_slice %arg10[%dma_wait3A_53] : memref<2x!tpu.dma_semaphore, #tpu.memory_space<semaphore_mem>> -> memref<1x!tpu.dma_semaphore, #tpu.memory_space<semaphore_mem>>
    %dma_wait3A_59 = tpu.memref_squeeze %dma_wait3A_58 : memref<1x!tpu.dma_semaphore, #tpu.memory_space<semaphore_mem>> -> memref<!tpu.dma_semaphore, #tpu.memory_space<semaphore_mem>>
    %dma_wait3A_60 = arith.constant 0 : i32
    %dma_wait3A_61 = tpu.memref_slice %arg8[%dma_wait3A_52, %dma_wait3A_60] : memref<2x512xi32, #tpu.memory_space<vmem>> -> memref<1x512xi32, #tpu.memory_space<vmem>>
    %dma_wait3A_62 = tpu.memref_squeeze %dma_wait3A_61 : memref<1x512xi32, #tpu.memory_space<vmem>> -> memref<512xi32, #tpu.memory_space<vmem>>
    %dma_wait3A_63 = tpu.memref_slice %arg3[%mul3A_2] : memref<16384xi32, #tpu.memory_space<hbm>> -> memref<512xi32, #tpu.memory_space<hbm>>
    tpu.wait_dma2 semaphore(%dma_wait3A_59 : memref<!tpu.dma_semaphore, #tpu.memory_space<semaphore_mem>>) src(%dma_wait3A_63 : memref<512xi32, #tpu.memory_space<hbm>>) dst(%dma_wait3A_62 : memref<512xi32, #tpu.memory_space<vmem>>)
    %dma_start3A_64 = arith.constant 1 : i32
    %dma_start3A_65 = arith.constant 1 : i32
    %dma_start3A_66 = arith.constant 1 : i32
    %dma_start3A_67 = arith.constant 0 : i32
    %dma_start3A_68 = arith.constant 0 : i32
    %dma_start3A_69 = tpu.memref_slice %arg9[%dma_start3A_65, %dma_start3A_67, %dma_start3A_68] : memref<2x512x64xf32, #tpu.memory_space<vmem>> -> memref<1x512x64xf32, #tpu.memory_space<vmem>>
    %dma_start3A_70 = tpu.memref_squeeze %dma_start3A_69 : memref<1x512x64xf32, #tpu.memory_space<vmem>> -> memref<512x64xf32, #tpu.memory_space<vmem>>
    %dma_start3A_71 = arith.constant 0 : i32
    %dma_start3A_72 = tpu.memref_slice %arg8[%dma_start3A_64, %dma_start3A_71] : memref<2x512xi32, #tpu.memory_space<vmem>> -> memref<1x512xi32, #tpu.memory_space<vmem>>
    %dma_start3A_73 = tpu.memref_squeeze %dma_start3A_72 : memref<1x512xi32, #tpu.memory_space<vmem>> -> memref<512xi32, #tpu.memory_space<vmem>>
    %dma_start3A_74 = arith.constant 0 : i32
    %dma_start3A_75 = arith.constant 0 : i32
    %dma_start3A_76 = tpu.memref_slice %arg5[%dma_start3A_74, %dma_start3A_75] : memref<10000x64xf32, #tpu.memory_space<hbm>> -> memref<10000x64xf32, #tpu.memory_space<hbm>>
    %dma_start3A_77 = tpu.memref_slice %arg11[%dma_start3A_66] : memref<2x!tpu.dma_semaphore, #tpu.memory_space<semaphore_mem>> -> memref<1x!tpu.dma_semaphore, #tpu.memory_space<semaphore_mem>>
    %dma_start3A_78 = tpu.memref_squeeze %dma_start3A_77 : memref<1x!tpu.dma_semaphore, #tpu.memory_space<semaphore_mem>> -> memref<!tpu.dma_semaphore, #tpu.memory_space<semaphore_mem>>
    tpu.enqueue_indirect_dma source(%dma_start3A_76 : memref<10000x64xf32, #tpu.memory_space<hbm>>) target(%dma_start3A_70 : memref<512x64xf32, #tpu.memory_space<vmem>>) offsets(%dma_start3A_73 : memref<512xi32, #tpu.memory_space<vmem>>) semaphore(%dma_start3A_78 : memref<!tpu.dma_semaphore, #tpu.memory_space<semaphore_mem>>)
    %dma_wait3A_79 = arith.constant 0 : i32
    %dma_wait3A_80 = arith.constant 0 : i32
    %dma_wait3A_81 = arith.constant 0 : i32
    %dma_wait3A_82 = arith.constant 0 : i32
    %dma_wait3A_83 = arith.constant 0 : i32
    %dma_wait3A_84 = tpu.memref_slice %arg9[%dma_wait3A_80, %dma_wait3A_82, %dma_wait3A_83] : memref<2x512x64xf32, #tpu.memory_space<vmem>> -> memref<1x512x64xf32, #tpu.memory_space<vmem>>
    %dma_wait3A_85 = tpu.memref_squeeze %dma_wait3A_84 : memref<1x512x64xf32, #tpu.memory_space<vmem>> -> memref<512x64xf32, #tpu.memory_space<vmem>>
    %dma_wait3A_86 = arith.constant 0 : i32
    %dma_wait3A_87 = tpu.memref_slice %arg8[%dma_wait3A_79, %dma_wait3A_86] : memref<2x512xi32, #tpu.memory_space<vmem>> -> memref<1x512xi32, #tpu.memory_space<vmem>>
    %dma_wait3A_88 = tpu.memref_squeeze %dma_wait3A_87 : memref<1x512xi32, #tpu.memory_space<vmem>> -> memref<512xi32, #tpu.memory_space<vmem>>
    %dma_wait3A_89 = arith.constant 0 : i32
    %dma_wait3A_90 = arith.constant 0 : i32
    %dma_wait3A_91 = tpu.memref_slice %arg4[%dma_wait3A_89, %dma_wait3A_90] : memref<1000x64xf32, #tpu.memory_space<hbm>> -> memref<1000x64xf32, #tpu.memory_space<hbm>>
    %dma_wait3A_92 = tpu.memref_slice %arg11[%dma_wait3A_81] : memref<2x!tpu.dma_semaphore, #tpu.memory_space<semaphore_mem>> -> memref<1x!tpu.dma_semaphore, #tpu.memory_space<semaphore_mem>>
    %dma_wait3A_93 = tpu.memref_squeeze %dma_wait3A_92 : memref<1x!tpu.dma_semaphore, #tpu.memory_space<semaphore_mem>> -> memref<!tpu.dma_semaphore, #tpu.memory_space<semaphore_mem>>
    tpu.wait_indirect_dma semaphore(%dma_wait3A_93 : memref<!tpu.dma_semaphore, #tpu.memory_space<semaphore_mem>>) src(%dma_wait3A_91 : memref<1000x64xf32, #tpu.memory_space<hbm>>) dst(%dma_wait3A_85 : memref<512x64xf32, #tpu.memory_space<vmem>>)
    %dma_start3A_94 = arith.constant 0 : i32
    %dma_start3A_95 = arith.constant 0 : i32
    %dma_start3A_96 = arith.constant 0 : i32
    %dma_start3A_97 = arith.constant 0 : i32
    %dma_start3A_98 = tpu.memref_slice %arg9[%dma_start3A_94, %dma_start3A_96, %dma_start3A_97] : memref<2x512x64xf32, #tpu.memory_space<vmem>> -> memref<1x512x64xf32, #tpu.memory_space<vmem>>
    %dma_start3A_99 = tpu.memref_squeeze %dma_start3A_98 : memref<1x512x64xf32, #tpu.memory_space<vmem>> -> memref<512x64xf32, #tpu.memory_space<vmem>>
    %dma_start3A_100 = arith.constant 0 : i32
    %dma_start3A_101 = tpu.memref_slice %arg6[%mul3A_2, %dma_start3A_100] : memref<16384x128xf32, #tpu.memory_space<hbm>> -> memref<512x64xf32, #tpu.memory_space<hbm>>
    %dma_start3A_102 = tpu.memref_slice %arg12[%dma_start3A_95] : memref<2x!tpu.dma_semaphore, #tpu.memory_space<semaphore_mem>> -> memref<1x!tpu.dma_semaphore, #tpu.memory_space<semaphore_mem>>
    %dma_start3A_103 = tpu.memref_squeeze %dma_start3A_102 : memref<1x!tpu.dma_semaphore, #tpu.memory_space<semaphore_mem>> -> memref<!tpu.dma_semaphore, #tpu.memory_space<semaphore_mem>>
    %dma_start3A_104 = arith.constant 0 : i32
    %dma_start3A_105 = tpu.memref_slice %arg6[%mul3A_2, %dma_start3A_104] : memref<16384x128xf32, #tpu.memory_space<hbm>> -> memref<512x64xf32, #tpu.memory_space<hbm>>
    %dma_start3A_106 = arith.constant 0 : i32
    %dma_start3A_107 = arith.constant 0 : i32
    %dma_start3A_108 = tpu.memref_slice %arg9[%dma_start3A_94, %dma_start3A_106, %dma_start3A_107] : memref<2x512x64xf32, #tpu.memory_space<vmem>> -> memref<1x512x64xf32, #tpu.memory_space<vmem>>
    %dma_start3A_109 = tpu.memref_squeeze %dma_start3A_108 : memref<1x512x64xf32, #tpu.memory_space<vmem>> -> memref<512x64xf32, #tpu.memory_space<vmem>>
    tpu.enqueue_dma source(%dma_start3A_109 : memref<512x64xf32, #tpu.memory_space<vmem>>) target(%dma_start3A_105 : memref<512x64xf32, #tpu.memory_space<hbm>>) target_semaphore(%dma_start3A_103 : memref<!tpu.dma_semaphore, #tpu.memory_space<semaphore_mem>>)
    %dma_wait3A_110 = arith.constant 1 : i32
    %dma_wait3A_111 = arith.constant 1 : i32
    %dma_wait3A_112 = arith.constant 1 : i32
    %dma_wait3A_113 = arith.constant 0 : i32
    %dma_wait3A_114 = arith.constant 0 : i32
    %dma_wait3A_115 = tpu.memref_slice %arg9[%dma_wait3A_111, %dma_wait3A_113, %dma_wait3A_114] : memref<2x512x64xf32, #tpu.memory_space<vmem>> -> memref<1x512x64xf32, #tpu.memory_space<vmem>>
    %dma_wait3A_116 = tpu.memref_squeeze %dma_wait3A_115 : memref<1x512x64xf32, #tpu.memory_space<vmem>> -> memref<512x64xf32, #tpu.memory_space<vmem>>
    %dma_wait3A_117 = arith.constant 0 : i32
    %dma_wait3A_118 = tpu.memref_slice %arg8[%dma_wait3A_110, %dma_wait3A_117] : memref<2x512xi32, #tpu.memory_space<vmem>> -> memref<1x512xi32, #tpu.memory_space<vmem>>
    %dma_wait3A_119 = tpu.memref_squeeze %dma_wait3A_118 : memref<1x512xi32, #tpu.memory_space<vmem>> -> memref<512xi32, #tpu.memory_space<vmem>>
    %dma_wait3A_120 = arith.constant 0 : i32
    %dma_wait3A_121 = arith.constant 0 : i32
    %dma_wait3A_122 = tpu.memref_slice %arg5[%dma_wait3A_120, %dma_wait3A_121] : memref<10000x64xf32, #tpu.memory_space<hbm>> -> memref<10000x64xf32, #tpu.memory_space<hbm>>
    %dma_wait3A_123 = tpu.memref_slice %arg11[%dma_wait3A_112] : memref<2x!tpu.dma_semaphore, #tpu.memory_space<semaphore_mem>> -> memref<1x!tpu.dma_semaphore, #tpu.memory_space<semaphore_mem>>
    %dma_wait3A_124 = tpu.memref_squeeze %dma_wait3A_123 : memref<1x!tpu.dma_semaphore, #tpu.memory_space<semaphore_mem>> -> memref<!tpu.dma_semaphore, #tpu.memory_space<semaphore_mem>>
    tpu.wait_indirect_dma semaphore(%dma_wait3A_124 : memref<!tpu.dma_semaphore, #tpu.memory_space<semaphore_mem>>) src(%dma_wait3A_122 : memref<10000x64xf32, #tpu.memory_space<hbm>>) dst(%dma_wait3A_116 : memref<512x64xf32, #tpu.memory_space<vmem>>)
    %dma_start3A_125 = arith.constant 1 : i32
    %dma_start3A_126 = arith.constant 1 : i32
    %dma_start3A_127 = arith.constant 0 : i32
    %dma_start3A_128 = arith.constant 0 : i32
    %dma_start3A_129 = tpu.memref_slice %arg9[%dma_start3A_125, %dma_start3A_127, %dma_start3A_128] : memref<2x512x64xf32, #tpu.memory_space<vmem>> -> memref<1x512x64xf32, #tpu.memory_space<vmem>>
    %dma_start3A_130 = tpu.memref_squeeze %dma_start3A_129 : memref<1x512x64xf32, #tpu.memory_space<vmem>> -> memref<512x64xf32, #tpu.memory_space<vmem>>
    %dma_start3A_131 = arith.constant 0 : i32
    %dma_start3A_132 = tpu.memref_slice %arg7[%mul3A_2, %dma_start3A_131] : memref<16384x128xf32, #tpu.memory_space<hbm>> -> memref<512x64xf32, #tpu.memory_space<hbm>>
    %dma_start3A_133 = tpu.memref_slice %arg12[%dma_start3A_126] : memref<2x!tpu.dma_semaphore, #tpu.memory_space<semaphore_mem>> -> memref<1x!tpu.dma_semaphore, #tpu.memory_space<semaphore_mem>>
    %dma_start3A_134 = tpu.memref_squeeze %dma_start3A_133 : memref<1x!tpu.dma_semaphore, #tpu.memory_space<semaphore_mem>> -> memref<!tpu.dma_semaphore, #tpu.memory_space<semaphore_mem>>
    %dma_start3A_135 = arith.constant 0 : i32
    %dma_start3A_136 = tpu.memref_slice %arg7[%mul3A_2, %dma_start3A_135] : memref<16384x128xf32, #tpu.memory_space<hbm>> -> memref<512x64xf32, #tpu.memory_space<hbm>>
    %dma_start3A_137 = arith.constant 0 : i32
    %dma_start3A_138 = arith.constant 0 : i32
    %dma_start3A_139 = tpu.memref_slice %arg9[%dma_start3A_125, %dma_start3A_137, %dma_start3A_138] : memref<2x512x64xf32, #tpu.memory_space<vmem>> -> memref<1x512x64xf32, #tpu.memory_space<vmem>>
    %dma_start3A_140 = tpu.memref_squeeze %dma_start3A_139 : memref<1x512x64xf32, #tpu.memory_space<vmem>> -> memref<512x64xf32, #tpu.memory_space<vmem>>
    tpu.enqueue_dma source(%dma_start3A_140 : memref<512x64xf32, #tpu.memory_space<vmem>>) target(%dma_start3A_136 : memref<512x64xf32, #tpu.memory_space<hbm>>) target_semaphore(%dma_start3A_134 : memref<!tpu.dma_semaphore, #tpu.memory_space<semaphore_mem>>)
    %dma_wait3A_141 = arith.constant 0 : i32
    %dma_wait3A_142 = arith.constant 0 : i32
    %dma_wait3A_143 = arith.constant 0 : i32
    %dma_wait3A_144 = arith.constant 0 : i32
    %dma_wait3A_145 = tpu.memref_slice %arg9[%dma_wait3A_141, %dma_wait3A_143, %dma_wait3A_144] : memref<2x512x64xf32, #tpu.memory_space<vmem>> -> memref<1x512x64xf32, #tpu.memory_space<vmem>>
    %dma_wait3A_146 = tpu.memref_squeeze %dma_wait3A_145 : memref<1x512x64xf32, #tpu.memory_space<vmem>> -> memref<512x64xf32, #tpu.memory_space<vmem>>
    %dma_wait3A_147 = arith.constant 0 : i32
    %dma_wait3A_148 = tpu.memref_slice %arg6[%mul3A_2, %dma_wait3A_147] : memref<16384x128xf32, #tpu.memory_space<hbm>> -> memref<512x64xf32, #tpu.memory_space<hbm>>
    %dma_wait3A_149 = tpu.memref_slice %arg12[%dma_wait3A_142] : memref<2x!tpu.dma_semaphore, #tpu.memory_space<semaphore_mem>> -> memref<1x!tpu.dma_semaphore, #tpu.memory_space<semaphore_mem>>
    %dma_wait3A_150 = tpu.memref_squeeze %dma_wait3A_149 : memref<1x!tpu.dma_semaphore, #tpu.memory_space<semaphore_mem>> -> memref<!tpu.dma_semaphore, #tpu.memory_space<semaphore_mem>>
    %dma_wait3A_151 = arith.constant 0 : i32
    %dma_wait3A_152 = tpu.memref_slice %arg6[%mul3A_2, %dma_wait3A_151] : memref<16384x128xf32, #tpu.memory_space<hbm>> -> memref<512x64xf32, #tpu.memory_space<hbm>>
    %dma_wait3A_153 = arith.constant 0 : i32
    %dma_wait3A_154 = arith.constant 0 : i32
    %dma_wait3A_155 = tpu.memref_slice %arg9[%dma_wait3A_141, %dma_wait3A_153, %dma_wait3A_154] : memref<2x512x64xf32, #tpu.memory_space<vmem>> -> memref<1x512x64xf32, #tpu.memory_space<vmem>>
    %dma_wait3A_156 = tpu.memref_squeeze %dma_wait3A_155 : memref<1x512x64xf32, #tpu.memory_space<vmem>> -> memref<512x64xf32, #tpu.memory_space<vmem>>
    tpu.wait_dma2 semaphore(%dma_wait3A_150 : memref<!tpu.dma_semaphore, #tpu.memory_space<semaphore_mem>>) src(%dma_wait3A_156 : memref<512x64xf32, #tpu.memory_space<vmem>>) dst(%dma_wait3A_152 : memref<512x64xf32, #tpu.memory_space<hbm>>)
    %dma_wait3A_157 = arith.constant 1 : i32
    %dma_wait3A_158 = arith.constant 1 : i32
    %dma_wait3A_159 = arith.constant 0 : i32
    %dma_wait3A_160 = arith.constant 0 : i32
    %dma_wait3A_161 = tpu.memref_slice %arg9[%dma_wait3A_157, %dma_wait3A_159, %dma_wait3A_160] : memref<2x512x64xf32, #tpu.memory_space<vmem>> -> memref<1x512x64xf32, #tpu.memory_space<vmem>>
    %dma_wait3A_162 = tpu.memref_squeeze %dma_wait3A_161 : memref<1x512x64xf32, #tpu.memory_space<vmem>> -> memref<512x64xf32, #tpu.memory_space<vmem>>
    %dma_wait3A_163 = arith.constant 0 : i32
    %dma_wait3A_164 = tpu.memref_slice %arg7[%mul3A_2, %dma_wait3A_163] : memref<16384x128xf32, #tpu.memory_space<hbm>> -> memref<512x64xf32, #tpu.memory_space<hbm>>
    %dma_wait3A_165 = tpu.memref_slice %arg12[%dma_wait3A_158] : memref<2x!tpu.dma_semaphore, #tpu.memory_space<semaphore_mem>> -> memref<1x!tpu.dma_semaphore, #tpu.memory_space<semaphore_mem>>
    %dma_wait3A_166 = tpu.memref_squeeze %dma_wait3A_165 : memref<1x!tpu.dma_semaphore, #tpu.memory_space<semaphore_mem>> -> memref<!tpu.dma_semaphore, #tpu.memory_space<semaphore_mem>>
    %dma_wait3A_167 = arith.constant 0 : i32
    %dma_wait3A_168 = tpu.memref_slice %arg7[%mul3A_2, %dma_wait3A_167] : memref<16384x128xf32, #tpu.memory_space<hbm>> -> memref<512x64xf32, #tpu.memory_space<hbm>>
    %dma_wait3A_169 = arith.constant 0 : i32
    %dma_wait3A_170 = arith.constant 0 : i32
    %dma_wait3A_171 = tpu.memref_slice %arg9[%dma_wait3A_157, %dma_wait3A_169, %dma_wait3A_170] : memref<2x512x64xf32, #tpu.memory_space<vmem>> -> memref<1x512x64xf32, #tpu.memory_space<vmem>>
    %dma_wait3A_172 = tpu.memref_squeeze %dma_wait3A_171 : memref<1x512x64xf32, #tpu.memory_space<vmem>> -> memref<512x64xf32, #tpu.memory_space<vmem>>
    tpu.wait_dma2 semaphore(%dma_wait3A_166 : memref<!tpu.dma_semaphore, #tpu.memory_space<semaphore_mem>>) src(%dma_wait3A_172 : memref<512x64xf32, #tpu.memory_space<vmem>>) dst(%dma_wait3A_168 : memref<512x64xf32, #tpu.memory_space<hbm>>)
    return
  }
}

</mosaic_0001>

<sc_bundles>
// kernel: _pair.3.cloned.1.call-start
scs
__scs_entry_jumppad:
0x0: {  	(pc) =	sbr.rel $0x88, $3  }
0x1: {  	(tag) =	ssettag $0x0;
	lr =	simm.s32 $0x1  }
0x2: {  	[smem:$0x3F9D] =	sst lr;
	_ =	strace $0xD0000000  }
0x3: {  	_ = 	snop  }
0x4: {  	_ = 	snop  }
0x5: {  	_ = 	snop  }
0x6: {  	_ = 	snop  }
0x7: {  	_ = 	snop  }
__scs_overlays_trampoline_lowered:
0x8: {  	[smem:$0x3FAC] =	sst s0  }
0x9: {  	[smem:$0x3FAD] =	sst s1  }
0xa: {  	[smem:$0x3FAE] =	sst s2  }
0xb: {  	[smem:$0x3FAF] =	sst s3  }
0xc: {  	[smem:$0x3FB0] =	sst s4  }
0xd: {  	[smem:$0x3FB1] =	sst s5  }
0xe: {  	[smem:$0x3FB2] =	sst s6  }
0xf: {  	[smem:$0x3FB3] =	sst s7  }
0x10: {  	[smem:$0x3FB4] =	sst s8  }
0x11: {  	[smem:$0x3FB5] =	sst s9;
	s0 =	simm.s32 @!p0 $0x0  }
0x12: {  	s1 =	sld [smem:$0x3F9B];
	s0 =	simm.s32 @p0 $0x1  }
0x13: {  	[smem:$0x3FB6] =	sst s0;
	s0 =	simm.s32 @!p1 $0x0  }
0x14: {  	s2 =	sld [smem:$0x3F9A];
	s0 =	simm.s32 @p1 $0x1  }
0x15: {  	[smem:$0x3FB7] =	sst s0;
	s0 =	simm.s32 @!p2 $0x0  }
0x16: {  	s3 =	sld [smem:$0x3FDB];
	s0 =	simm.s32 @p2 $0x1  }
0x17: {  	s4 =	simm.s32 $0x1BF5;
	[smem:$0x3FB9] =	sst s0  }
0x18: {  	s0 =	sld [smem:$0x3F9C];
	_ =	swait.ge [sflag:s4], $0x0  }
0x19: {  	s7 =	sld [smem:$0x3F9D]  }
0x1a: {  	s8 =	sadd.s32 $0xFFFFE003, lr  }
0x1b: {  	s9 =	sadd.s32 $0xFFFFFEF7, lr;
	s5 =	simm.s32 $0xFFFFFFFF;
	p2 =	slt.u32 s8, $0xFFFFF086  }
0x1c: {  	p1 =	slt.u32 s9, $0xF7A;
	s5 =	simm.s32 @!p2 $0x0  }
0x1d: {  	s5 =	simm.s32 @p1 $0x1;
	p0 =	seq.s32 s7, s2  }
0x1e: {  	s7 =	smul.u32 @!p0 $0xF7A, s2;
	p2 =	seq.s32 @!p0 s5, $0x0  }
0x1f: {  	s9 =	smul.u32 $0xF7A, s1;
	s8 =	simm.s32 @!p0 $0x1BF5;
	p2 =	por !p2, p0  }
0x20: {  	[sflag:s8] =	ssyncset.s32 @!p0 $0xFFFFF086;
	s6 =	sadd.s32 @!p0 s3, s7;
	s7 =	simm.s32 @!p0 $0x108  }
0x21: {  	s3 =	sadd.s32 s3, s9;
	s6 =	sadd.s32 @!p0 $0x88, s6;
	s7 =	simm.s32 @p2 $0x1082  }
0x22: {  	[simem:s7], [sflag:s8] =	dma.local @!p0 [hbm:s6], $0xF7A  }
0x23: {  	s9 =	sor.u32 $0xD0000000, s2;
	s6 =	simm.s32 $0x108;
	_ =	swait.ge @!p0 [sflag:s8], $0x0  }
0x24: {  	s3 =	sadd.s32 $0x88, s3;
	s6 =	simm.s32 @!p1 $0x1082;
	[sflag:s4] =	ssyncset.s32 $0xFFFFF086  }
0x25: {  	[simem:s6], [sflag:s4] =	dma.local [hbm:s3], $0xF7A  }
0x26: {  	[smem:$0x3F9D] =	sst s1;
	(tag) =	ssettag s2;
	_ =	strace s9  }
0x27: {  	s1 =	sld [smem:$0x3FAD]  }
0x28: {  	s2 =	sld [smem:$0x3FAE]  }
0x29: {  	s4 =	sld [smem:$0x3FB0]  }
0x2a: {  	p0 =	seq.s32 s5, $0x0;
	s5 =	sld [smem:$0x3FB1]  }
0x2b: {  	s6 =	sld [smem:$0x3FB2]  }
0x2c: {  	s7 =	sld [smem:$0x3FB3]  }
0x2d: {  	s3 =	simm.s32 $0x108;
	s8 =	sld [smem:$0x3FB4]  }
0x2e: {  	s3 =	simm.s32 @!p0 $0x1082;
	s9 =	sld [smem:$0x3FB5]  }
0x2f: {  	lr =	sadd.s32 s0, s3;
	s0 =	sld [smem:$0x3FAC]  }
0x30: {  	s3 =	sld [smem:$0x3FAF]  }
0x31: {  	[smem:$0x3FB8] =	sst s10  }
0x32: {  	s10 =	sld [smem:$0x3FB6];
	_ =	sdelay $0x3  }
0x33: {  	p0 =	seq.s32 s10, $0x1;
	s10 =	sld [smem:$0x3FB8];
	_ =	sdelay $0x3  }
0x34: {  	[smem:$0x3FB8] =	sst s10  }
0x35: {  	s10 =	sld [smem:$0x3FB7];
	_ =	sdelay $0x3  }
0x36: {  	p1 =	seq.s32 s10, $0x1;
	s10 =	sld [smem:$0x3FB8];
	_ =	sdelay $0x3  }
0x37: {  	[smem:$0x3FB8] =	sst s10  }
0x38: {  	s10 =	sld [smem:$0x3FB9]  }
0x39: {  	_ = 	snop;
	(pc) =	sbr.ind lr, $3  }
0x3a: {  	_ = 	snop  }
0x3b: {  	_ = 	snop  }
0x3c: {  	p2 =	seq.s32 s10, $0x1;
	s10 =	sld [smem:$0x3FB8]  }
0x3d: {  	_ =	shalt  }
0x3e: {  	_ =	shalt  }
0x3f: {  	_ =	shalt  }
0x40: {  	_ =	shalt  }
0x41: {  	_ =	shalt  }
0x42: {  	_ =	shalt  }
0x43: {  	_ =	shalt  }
0x44: {  	_ =	shalt  }
0x45: {  	_ =	shalt  }
0x46: {  	_ =	shalt  }
0x47: {  	_ =	shalt  }
0x48: {  	_ =	shalt  }
0x49: {  	_ =	shalt  }
0x4a: {  	_ =	shalt  }
0x4b: {  	_ =	shalt  }
0x4c: {  	_ =	shalt  }
0x4d: {  	_ =	shalt  }
0x4e: {  	_ =	shalt  }
0x4f: {  	_ =	shalt  }
0x50: {  	_ =	shalt  }
0x51: {  	_ =	shalt  }
0x52: {  	_ =	shalt  }
0x53: {  	_ =	shalt  }
0x54: {  	_ =	shalt  }
0x55: {  	_ =	shalt  }
0x56: {  	_ =	shalt  }
0x57: {  	_ =	shalt  }
0x58: {  	_ =	shalt  }
0x59: {  	_ =	shalt  }
0x5a: {  	_ =	shalt  }
0x5b: {  	_ =	shalt  }
0x5c: {  	_ =	shalt  }
0x5d: {  	_ =	shalt  }
0x5e: {  	_ =	shalt  }
0x5f: {  	_ =	shalt  }
0x60: {  	_ =	shalt  }
0x61: {  	_ =	shalt  }
0x62: {  	_ =	shalt  }
0x63: {  	_ =	shalt  }
0x64: {  	_ =	shalt  }
0x65: {  	_ =	shalt  }
0x66: {  	_ =	shalt  }
0x67: {  	_ =	shalt  }
0x68: {  	_ =	shalt  }
0x69: {  	_ =	shalt  }
0x6a: {  	_ =	shalt  }
0x6b: {  	_ =	shalt  }
0x6c: {  	_ =	shalt  }
0x6d: {  	_ =	shalt  }
0x6e: {  	_ =	shalt  }
0x6f: {  	_ =	shalt  }
0x70: {  	_ =	shalt  }
0x71: {  	_ =	shalt  }
0x72: {  	_ =	shalt  }
0x73: {  	_ =	shalt  }
0x74: {  	_ =	shalt  }
0x75: {  	_ =	shalt  }
0x76: {  	_ =	shalt  }
0x77: {  	_ =	shalt  }
0x78: {  	_ =	shalt  }
0x79: {  	_ =	shalt  }
0x7a: {  	_ =	shalt  }
0x7b: {  	_ =	shalt  }
0x7c: {  	_ =	shalt  }
0x7d: {  	_ =	shalt  }
0x7e: {  	_ =	shalt  }
0x7f: {  	_ =	shalt  }
0x80: {  	_ =	shalt  }
0x81: {  	_ =	shalt  }
0x82: {  	_ =	shalt  }
0x83: {  	_ =	shalt  }
0x84: {  	_ =	shalt  }
0x85: {  	_ =	shalt  }
0x86: {  	_ =	shalt  }
0x87: {  	_ =	shalt  }
.Lfunc_end0:
.L_simem_size_0:
called_computation_lowered:
.L_overlay_start_0:
0x88: {  	s2 =	sld [smem:$0x3FD9]  }
0x89: {  	s3 =	sld [smem:$0x3FFE];
	_ =	sdelay $0x1  }
0x8a: {  	s1 =	srdreg.scid  }
0x8b: {  	s0 =	sand.u32 $0x1, s1  }
0x8c: {  	s14 =	sshll.u32 s0, $0xA;
	s2 =	sadd.s32 s3, s2  }
0x8d: {  	s2 =	sadd.s32 s2, s14  }
0x8e: {  	[smem:$0x3FC4] =	sst s2  }
0x8f: {  	_ = 	snop  }
0x90: {  	s2 =	sld [smem:$0x3FD0];
	_ =	sdelay $0x1  }
0x91: {  	s15 =	sld [smem:$0x3FC9]  }
0x92: {  	s5 =	simm.s32 $0xA;
	s6 =	simm.s32 $0x10;
	s4 =	sld [smem:$0x3FC8]  }
0x93: {  	[smem:s6], [sflag:s5] =	dma.local [hbm:s2], $0x1  }
0x94: {  	_ =	swait.eq [sflag:s5], $0x1  }
0x95: {  	[sflag:s5] =	ssyncset.done $0x0  }
0x96: {  	s16 =	sld [smem:$0x10];
	[sflag:s5] =	ssyncadd.s32 $0xFFFFFFFF  }
0x97: {  	s17 =	sld [smem:$0x11];
	(tm) =	ssettm $0x1  }
0x98: {  	s18 =	sld [smem:$0x3FFB];
	_ =	sdelay $0x3  }
0x99: {  	_ =	strace s18  }
0x9a: {  	s6 =	sld [smem:$0x3FFC];
	_ =	sdelay $0x3  }
0x9b: {  	_ =	strace s6  }
0x9c: {  	s6 =	sld [smem:$0x3FFD];
	_ =	sdelay $0x3  }
0x9d: {  	_ =	strace s6  }
0x9e: {  	_ =	strace $0x8FFFFFFF  }
0x9f: {  	s19 =	sld [smem:$0x3FDB];
	_ =	sdelay $0x1  }
0xa0: {  	s7 =	simm.s32 $_scs_section_size  }
0xa1: {  	s8 =	simm.s32 $_size__tile_overlayer_lowered;
	s9 =	simm.s32 $_tile_overlayer_lowered  }
0xa2: {  	s22 =	simm.s32 $0x1BFF;
	s21 =	sshll.u32 s9, $0x1;
	s6 =	sadd.s32 s7, s19  }
0xa3: {  	s10 =	simm.s32 $0x0;
	s20 =	sshll.u32 s8, $0x1;
	s8 =	sadd.s32 s21, s6  }
0xa4: {  	[timem:s10], [sflag:s22] =	dma.local [hbm:s8], s20  }
0xa5: {  	_ =	swait.ge [sflag:s22], s20  }
0xa6: {  	s7 =	ssub.s32 $0x0, s20;
	[sflag:s22] =	ssyncset.done $0x0  }
0xa7: {  	[sflag:s22] =	ssyncadd.s32 s7;
	_ =	sdelay $0x1  }
0xa8: {  	s23 =	simm.s32 $0x1B8B  }
0xa9: {  	_ =	swait.ge [sflag:s23], $0x1  }
0xaa: {  	[sflag:s23] =	ssyncset.done $0x0  }
0xab: {  	s25 =	simm.s32 $0x1B8E;
	s24 =	sld [smem:$0x3FFE];
	[sflag:s23] =	ssyncadd.s32 $0xFFFFFFFF  }
0xac: {  	s26 =	simm.s32 $execute0_lowered;
	[smem:$0x3FD2] =	sst s25  }
0xad: {  	s8 =	sshll.u32 s26, $0x1;
	_ =	strace $0x80000046;
	[dreg:$0x1] =	wrdreg $0xFFFFFFFF  }
0xae: {  	s28 =	simm.s32 $_size_execute0_lowered;
	s6 =	sadd.s32 s6, s8;
	[dreg:$0x0] =	wrdreg $0x0  }
0xaf: {  	s8 =	sshll.u32 s28, $0x1;
	[dreg:$0x2] =	wrdreg s6  }
0xb0: {  	[dreg:$0x3] =	wrdreg s8  }
0xb1: {  	[dreg:$0x4] =	wrdreg $0xC0  }
0xb2: {  	_ =	task [dreg:s10], $0x5FFFF  }
0xb3: {  	[dreg:$0x1] =	wrdreg $0xFFFFFFFF  }
0xb4: {  	[dreg:$0x0] =	wrdreg $0x60  }
0xb5: {  	[dreg:$0x2] =	wrdreg s15  }
0xb6: {  	[dreg:$0x3] =	wrdreg s4  }
0xb7: {  	[dreg:$0x4] =	wrdreg s24  }
0xb8: {  	[dreg:$0x5] =	wrdreg s16  }
0xb9: {  	[dreg:$0x6] =	wrdreg s17  }
0xba: {  	[dreg:$0x7] =	wrdreg $0x9  }
0xbb: {  	_ =	task.clear_ibuf [dreg:s10], $0x8FFFF;
	_ =	strace $0x90000046  }
0xbc: {  	s29 =	simm.s32 $0x9;
	_ =	strace $0x80000048  }
0xbd: {  	_ =	swait.ge [sflag:s29], $0x1  }
0xbe: {  	[sflag:s29] =	ssyncadd.s32 $0xFFFFFFFF  }
0xbf: {  	_ =	strace $0x90000048  }
0xc0: {  	_ =	sfence  }
0xc1: {  	s30 =	sld [smem:$0x0];
	_ =	sdelay $0x2  }
0xc2: {  	s31 =	sshll.u32 s1, $0xD;
	s1 =	sshrl.u32 s1, $0x2  }
0xc3: {  	s3 =	sand.u32 $0x4000, s31;
	s1 =	sadd.s32 s1, s30  }
0xc4: {  	s0 =	sor.u32 s3, s0;
	s1 =	sshll.u32 s1, $0x11  }
0xc5: {  	s0 =	sor.u32 s1, s0  }
0xc6: {  	s0 =	sadd.s32 $0x8F2B, s0  }
0xc7: {  	[sflag:s0] =	ssyncadd.remote.s32 $0x1  }
0xc8: {  	_ =	sfence.sel $0xFFFF  }
0xc9: {  	[dreg:$0x0] =	wrdreg $0xFFFFFFFF;
	(pc) =	sbr.abs _section_cstart, $3  }
0xca: {  	[dreg:$0x1] =	wrdreg $0xFFFFFFFF  }
0xcb: {  	_ =	task.clear_ibuf [dreg:s10], $0x2FFFF;
	_ =	strace $0x9FFFFFFF  }
0xcc: {  	(tm) =	ssettm $0x7FFFFFFF  }
0xcd: {  	_ =	shalt  }
tec
execute0_lowered:
.L_overlay_start_1:
0x0: {  	(tag) =	ssettag $0x1  }
0x1: {  	s3 =	rddreg [dreg:$0x0]  }
0x2: {  	s4 =	rddreg [dreg:$0x1];
	s1 =	srdreg.scid  }
0x3: {  	s10 =	rddreg [dreg:$0x2];
	s0 =	stileid.u32;
	s17 =	sand.u32 $0x1, s1  }
0x4: {  	s13 =	rddreg [dreg:$0x3];
	s5 =	sshll.u32 s0, $0xA;
	s6 =	sshll.u32 s17, $0x9  }
0x5: {  	s18 =	rddreg [dreg:$0x4];
	s2 =	simm.s32 $0x0;
	s14 =	sor.u32 s6, s5  }
0x6: {  	[smem:$0x7FF] =	sst s2;
	s5 =	sshrl.u32 s14, $0x3  }
0x7: {  	s1 =	rddreg [dreg:$0x5];
	_ =	strace $0x80000047;
	s3 =	sadd.s32 s3, s5  }
0x8: {  	[tilespmem:s2], [sflag:$0x1] =	stream.linear.gather [hbm4b:s3+s2], $0x200, $0x38;
	[tilespmem:$0x10400] =	vst v63  }
0x9: {  	s6 =	simm.s32 $0x1;
	s4 =	sadd.s32 s4, s5;
	s5 =	simm.s32 $0x200  }
0xa: {  	[tilespmem:s5], [sflag:$0x2] =	stream.linear.gather [hbm4b:s4+s2], $0x200, $0x38;
	[tilespmem:$0x10400] =	vst v63  }
0xb: {  	_ =	swait.ge [sflag:s6], $0x200  }
0xc: {  	s8 =	simm.s32 $0x400;
	[sflag:s6] =	ssyncset.done $0x0  }
0xd: {  	s9 =	simm.s32 $0x2;
	s7 =	sadd.s32 $0x800, s10;
	[sflag:s6] =	ssyncadd.s32 $0xFFFFFE00  }
0xe: {  	[tilespmem:s8], [sflag:$0x3] =	stream.indirect.gather [hbm4b:s7+s5], $0x40, s2, s5, $0xb8;
	[tilespmem:$0x10400] =	vst v63  }
0xf: {  	_ =	swait.ge [sflag:s9], $0x200  }
0x10: {  	s11 =	simm.s32 $0x8400;
	s12 =	simm.s32 $0x3;
	[sflag:s9] =	ssyncset.done $0x0  }
0x11: {  	s15 =	simm.s32 $0x80;
	s10 =	sadd.s32 $0x2800, s10;
	[sflag:s9] =	ssyncadd.s32 $0xFFFFFE00  }
0x12: {  	[tilespmem:s11], [sflag:$0x4] =	stream.indirect.gather [hbm4b:s10+s5], $0x40, s5, s5, $0xb8;
	[tilespmem:$0x10400] =	vst v63  }
0x13: {  	s16 =	simm.s32 $0x4;
	s20 =	ssub.s32 $0x2, s17;
	_ =	swait.ge [sflag:s12], $0x8000  }
0x14: {  	s31 =	sshrl.u32 s20, $0x1;
	s19 =	sshll.u32 s14, $0x4;
	[sflag:s12] =	ssyncset.done $0x0  }
0x15: {  	s14 =	simm.s32 $0x40;
	s13 =	sadd.s32 s13, s19;
	[sflag:s12] =	ssyncadd.s32 $0xFFFF8000  }
0x16: {  	[hbm4b:s13+s14] =	stream.strided.scatter [tilespmem:s8], [sflag:$0x5], $0x8000, s15, s14, $0x38;
	[tilespmem:$0x10400] =	vst v63  }
0x17: {  	s17 =	sadd.s32 s18, s19;
	s19 =	ssub.s32 s20, s31;
	_ =	swait.ge [sflag:s16], $0x8000  }
0x18: {  	s20 =	smax.u32 s19, $0x1;
	[sflag:s16] =	ssyncset.done $0x0  }
0x19: {  	s18 =	simm.s32 $0x5;
	p0 =	sne.s32 s20, $0x1;
	[sflag:s16] =	ssyncadd.s32 $0xFFFF8000  }
0x1a: {  	[hbm4b:s17+s14] =	stream.strided.scatter [tilespmem:s11], [sflag:$0x6], $0x8000, s15, s14, $0x38;
	[tilespmem:$0x10400] =	vst v63  }
.Ltmp0:
0x1b: {  	_ =	swait.ge [sflag:s18], $0x8000;
	(pc) =	sbr.rel @!p0 .LBB2_2-.Ltmp0, $4  }
0x1c: {  	[sflag:s18] =	ssyncset.done $0x0  }
0x1d: {  	s19 =	simm.s32 $0x6;
	[sflag:s18] =	ssyncadd.s32 $0xFFFF8000  }
0x1e: {  	_ =	swait.ge [sflag:s19], $0x8000  }
0x1f: {  	s20 =	sadd.s32 $0xFFFFFFFF, s20;
	[sflag:s19] =	ssyncset.done $0x0  }
.LBB2_1:
0x20: {  	p0 =	sne.s32 s20, $0x1;
	s20 =	sadd.s32 $0xFFFFFFFF, s20;
	[sflag:s19] =	ssyncadd.s32 $0xFFFF8000  }
0x21: {  	[tilespmem:s2], [sflag:$0x1] =	stream.linear.gather [hbm4b:s3+s2], $0x200, $0x38;
	[tilespmem:$0x10400] =	vst v63  }
0x22: {  	_ = 	snop  }
0x23: {  	[tilespmem:s5], [sflag:$0x2] =	stream.linear.gather [hbm4b:s4+s2], $0x200, $0x38;
	[tilespmem:$0x10400] =	vst v63  }
0x24: {  	_ =	swait.ge [sflag:s6], $0x200  }
0x25: {  	[sflag:s6] =	ssyncset.done $0x0  }
0x26: {  	[sflag:s6] =	ssyncadd.s32 $0xFFFFFE00  }
0x27: {  	[tilespmem:s8], [sflag:$0x3] =	stream.indirect.gather [hbm4b:s7+s5], $0x40, s2, s5, $0xb8;
	[tilespmem:$0x10400] =	vst v63  }
0x28: {  	_ =	swait.ge [sflag:s9], $0x200  }
0x29: {  	[sflag:s9] =	ssyncset.done $0x0  }
0x2a: {  	[sflag:s9] =	ssyncadd.s32 $0xFFFFFE00  }
0x2b: {  	[tilespmem:s11], [sflag:$0x4] =	stream.indirect.gather [hbm4b:s10+s5], $0x40, s5, s5, $0xb8;
	[tilespmem:$0x10400] =	vst v63  }
0x2c: {  	_ =	swait.ge [sflag:s12], $0x8000  }
0x2d: {  	[sflag:s12] =	ssyncset.done $0x0  }
0x2e: {  	[sflag:s12] =	ssyncadd.s32 $0xFFFF8000  }
0x2f: {  	[hbm4b:s13+s14] =	stream.strided.scatter [tilespmem:s8], [sflag:$0x5], $0x8000, s15, s14, $0x38;
	[tilespmem:$0x10400] =	vst v63  }
0x30: {  	_ =	swait.ge [sflag:s16], $0x8000  }
0x31: {  	[sflag:s16] =	ssyncset.done $0x0  }
0x32: {  	[sflag:s16] =	ssyncadd.s32 $0xFFFF8000  }
0x33: {  	[hbm4b:s17+s14] =	stream.strided.scatter [tilespmem:s11], [sflag:$0x6], $0x8000, s15, s14, $0x38;
	[tilespmem:$0x10400] =	vst v63  }
.Ltmp1:
0x34: {  	_ =	swait.ge [sflag:s18], $0x8000;
	(pc) =	sbr.rel @p0 .LBB2_1-.Ltmp1, $4  }
0x35: {  	[sflag:s18] =	ssyncset.done $0x0  }
0x36: {  	[sflag:s18] =	ssyncadd.s32 $0xFFFF8000  }
0x37: {  	_ =	swait.ge [sflag:s19], $0x8000  }
0x38: {  	[sflag:s19] =	ssyncset.done $0x0  }
.LBB2_2:
0x39: {  	[sflag:s19] =	ssyncadd.s32 $0xFFFF8000  }
0x3a: {  	_ =	sfence.sel $0x180000  }
0x3b: {  	[bflag:$0x0] =	sbarrier.arrive $0xFFFF  }
0x3c: {  	p0 =	sne.s32 s0, $0x0;
	_ =	strace $0x90000047  }
0x3d: {  	s0 =	sadd.s32 @!p0 $0x100000, s1;
	[bflag:$0x2] =	sbarrier.arrive $0xFFFF  }
0x3e: {  	[sflag:s0] =	ssyncadd.tile.s32 @!p0 $0x1;
	_ =	shalt  }
.Lfunc_end2:
_tile_overlayer_lowered:
.L_overlay_start_2:
0x3f: {  	(tag) =	ssettag $0x2  }
0x40: {  	s0 =	rddreg [dreg:$0x0];
	s2 =	stileid.u32  }
0x41: {  	s1 =	rddreg [dreg:$0x1];
	p0 =	sne.s32 s2, $0x0  }
0x42: {  	s3 =	rddreg [dreg:$0x2];
	[bflag:$0x3] =	sbarrier.arrive $0xFFFF;
	s2 =	simm.s32 @!p0 $0x1C07  }
0x43: {  	[timem:s3], [sflag:s2] =	dma.local @!p0 [hbm:s0], s1  }
0x44: {  	s0 =	simm.s32 @!p0 $0x7  }
0x45: {  	_ =	swait.ge @!p0 [sflag:s0], s1  }
0x46: {  	s1 =	ssub.s32 @!p0 $0x0, s1;
	[sflag:s0] =	ssyncset.done @!p0 $0x0  }
0x47: {  	[sflag:s0] =	ssyncadd.s32 @!p0 s1  }
0x48: {  	[bflag:$0x3] =	sbarrier.arrive $0xFFFF  }
0x49: {  	_ =	shalt  }

</sc_bundles>
